<compile_context>
chip_gen: v7x
topology: tpu7x:2x2x1
jax: 0.10.2.dev20260603
libtpu: 0.0.44.dev20260713+nightly
codegen_flags: <defaults>
</compile_context>

<pallas_src>
import functools

import jax
import jax.numpy as jnp
from jax import lax
from jax.experimental import pallas as pl
from jax.experimental.pallas import tpu as pltpu
from jax.experimental.pallas import tpu_sc as plsc

B = 1024
C = 100
LOW = 128
QN = 8192
FEAT_N = 2 * B + QN
NVAL_PAD_R = 8
NVAL_PAD_C = 640
NB = 4
BLK = B // NB

SC_NC = 2
SC_NS = 16
SC_NW = SC_NC * SC_NS
SC_ROWS = QN // SC_NW


@functools.partial(
    pl.kernel,
    mesh=plsc.VectorSubcoreMesh(core_axis_name="c", subcore_axis_name="s"),
    out_type=jax.ShapeDtypeStruct((FEAT_N, LOW), jnp.float32),
    scratch_types=[pltpu.VMEM((SC_ROWS, LOW), jnp.float32)],
)
def _sc_queue_copy(queue_hbm, feat_hbm, rows_v):
    wid = lax.axis_index("s") * SC_NC + lax.axis_index("c")
    base = wid * SC_ROWS
    pltpu.sync_copy(queue_hbm.at[pl.ds(base, SC_ROWS), :], rows_v)
    pltpu.sync_copy(rows_v, feat_hbm.at[pl.ds(2 * B + base, SC_ROWS), :])


def _main_kernel(epoch_ref, num_val_ref,
                 orig_ref, corr_ref, partial_ref, nonconf_ref,
                 w1_ref, b1_ref, w2_ref, b2_ref, wc_ref, bc_ref, protos_ref,
                 out_ref, q_ref, k_ref, pseudo_ref, score_ref,
                 probs_ref, beta_ref):
    f32 = jnp.float32
    i = pl.program_id(0)

    @pl.when(i < NB)
    def _encode_block():
        w1 = w1_ref[...]
        b1 = b1_ref[...]
        w2 = w2_ref[...]
        b2 = b2_ref[...]

        h = jnp.maximum(jnp.dot(orig_ref[...], w1,
                                preferred_element_type=f32) + b1, 0.0)
        out = jnp.dot(h, wc_ref[...], preferred_element_type=f32) + bc_ref[...]
        out_ref[...] = out
        m = jnp.max(out, axis=1, keepdims=True)
        e = jnp.exp(out - m)
        probs = e / jnp.sum(e, axis=1, keepdims=True)
        probs_ref[pl.ds(i * BLK, BLK), :] = probs

        @pl.when(i == 0)
        def _():
            beta_ref[0] = 0.0
        beta_ref[0] += jnp.sum(probs * (1.0 - partial_ref[pl.ds(i * BLK, BLK), :]))

        z = jnp.dot(h, w2, preferred_element_type=f32) + b2
        q = z / (jnp.sqrt(jnp.sum(z * z, axis=1, keepdims=True)) + 1e-12)
        q_ref[...] = q

        hk = jnp.maximum(jnp.dot(corr_ref[...], w1,
                                 preferred_element_type=f32) + b1, 0.0)
        zk = jnp.dot(hk, w2, preferred_element_type=f32) + b2
        k_ref[...] = zk / (jnp.sqrt(jnp.sum(zk * zk, axis=1, keepdims=True))
                           + 1e-12)

        logits_p = lax.dot_general(q, protos_ref[...],
                                   (((1,), (1,)), ((), ())),
                                   preferred_element_type=f32)
        mp = jnp.max(logits_p, axis=1, keepdims=True)
        ep = jnp.exp(logits_p - mp)
        score_ref[...] = ep / jnp.sum(ep, axis=1, keepdims=True)

    @pl.when(i == NB)
    def _labels():
        epoch = epoch_ref[0]
        num_val = num_val_ref[0]
        beta = beta_ref[0] / f32(B)
        s = 0.05 + beta
        r_i = lax.broadcasted_iota(jnp.int32, (NVAL_PAD_R, NVAL_PAD_C), 0)
        c_i = lax.broadcasted_iota(jnp.int32, (NVAL_PAD_R, NVAL_PAD_C), 1)
        flat = r_i * NVAL_PAD_C + c_i
        pv = (num_val + 1 - flat).astype(f32) / (num_val + 1).astype(f32)
        valid = flat <= num_val
        cnt = jnp.sum(jnp.where(valid & (pv > s), 1, 0))
        kstar = cnt - 1
        thresh = jnp.max(jnp.where(flat <= kstar, nonconf_ref[...], -1.0))
        thresh = jnp.where(epoch >= 10, thresh, 2.0)

        eps = jnp.exp2(-(epoch - 9).astype(f32))
        probs = probs_ref[...]
        partial = partial_ref[...]
        new_nonconf = 1.0 - probs * (1.0 - eps)
        conformal = jnp.where(new_nonconf <= thresh, 1.0, 0.0)
        common = conformal * partial
        rowsum = jnp.sum(common, axis=1, keepdims=True)
        w_filter = jnp.where(rowsum >= 1.0, common, partial)
        scores = probs * w_filter
        rowmax = jnp.max(scores, axis=1, keepdims=True)
        col = lax.broadcasted_iota(jnp.int32, (B, C), 1)
        cand = jnp.where(scores == rowmax, col, C)
        pseudo_ref[...] = jnp.min(cand, axis=1, keepdims=True).astype(f32)


def _merge_kernel(feat_in_ref, q_ref, k_ref, feat_ref, sem_q, sem_k):
    del feat_in_ref
    q_copy = pltpu.make_async_copy(q_ref, feat_ref.at[0:B, :], sem_q)
    k_copy = pltpu.make_async_copy(k_ref, feat_ref.at[B:2 * B, :], sem_k)
    q_copy.start()
    k_copy.start()
    q_copy.wait()
    k_copy.wait()


@jax.jit
def _run(original_input, corrupted_input, partial_labels, epoch_arr,
         num_val_arr, nonconf_pad, W1, b1, W2, b2, Wc, bc, queue, prototypes):
    feat0 = _sc_queue_copy(queue)

    last = lambda i: (jnp.minimum(i, NB - 1), 0)
    const = lambda i: (0, 0)
    main = pl.pallas_call(
        _main_kernel,
        grid=(NB + 1,),
        in_specs=[
            pl.BlockSpec(memory_space=pltpu.SMEM),
            pl.BlockSpec(memory_space=pltpu.SMEM),
            pl.BlockSpec((BLK, 1024), last),
            pl.BlockSpec((BLK, 1024), last),
            pl.BlockSpec((B, C), const),
            pl.BlockSpec((NVAL_PAD_R, NVAL_PAD_C), const),
            pl.BlockSpec((1024, 1024), const),
            pl.BlockSpec((1024,), lambda i: (0,)),
            pl.BlockSpec((1024, LOW), const),
            pl.BlockSpec((LOW,), lambda i: (0,)),
            pl.BlockSpec((1024, C), const),
            pl.BlockSpec((C,), lambda i: (0,)),
            pl.BlockSpec((C, LOW), const),
        ],
        out_specs=[
            pl.BlockSpec((BLK, C), last),
            pl.BlockSpec((BLK, LOW), last),
            pl.BlockSpec((BLK, LOW), last),
            pl.BlockSpec((B, 1), const),
            pl.BlockSpec((BLK, C), last),
        ],
        scratch_shapes=[
            pltpu.VMEM((B, C), jnp.float32),
            pltpu.SMEM((1,), jnp.float32),
        ],
        out_shape=[
            jax.ShapeDtypeStruct((B, C), jnp.float32),
            jax.ShapeDtypeStruct((B, LOW), jnp.float32),
            jax.ShapeDtypeStruct((B, LOW), jnp.float32),
            jax.ShapeDtypeStruct((B, 1), jnp.float32),
            jax.ShapeDtypeStruct((B, C), jnp.float32),
        ],
    )
    output, q_rows, k_rows, pseudo2d, score_prot = main(
        epoch_arr, num_val_arr, original_input, corrupted_input,
        partial_labels, nonconf_pad, W1, b1, W2, b2, Wc, bc, prototypes)

    features = pl.pallas_call(
        _merge_kernel,
        grid=(),
        in_specs=[
            pl.BlockSpec(memory_space=pltpu.MemorySpace.HBM),
            pl.BlockSpec(memory_space=pltpu.VMEM),
            pl.BlockSpec(memory_space=pltpu.VMEM),
        ],
        out_specs=pl.BlockSpec(memory_space=pltpu.MemorySpace.HBM),
        out_shape=jax.ShapeDtypeStruct((FEAT_N, LOW), jnp.float32),
        scratch_shapes=[pltpu.SemaphoreType.DMA, pltpu.SemaphoreType.DMA],
        input_output_aliases={0: 0},
    )(feat0, q_rows, k_rows)

    return output, features, pseudo2d, score_prot


def kernel(original_input, corrupted_input, partial_labels, epoch, num_val,
           non_conformities_val, W1, b1, W2, b2, Wc, bc,
           W1k, b1k, W2k, b2k, Wck, bck, queue, queue_pseudo, prototypes):
    epoch_arr = jnp.asarray(epoch, jnp.int32).reshape(1)
    num_val_arr = jnp.asarray(num_val, jnp.int32).reshape(1)
    npad = NVAL_PAD_R * NVAL_PAD_C - non_conformities_val.shape[0]
    nonconf_pad = jnp.pad(non_conformities_val, (0, npad),
                          constant_values=-1.0).reshape(NVAL_PAD_R, NVAL_PAD_C)
    output, features, pseudo2d, score_prot = _run(
        original_input, corrupted_input, partial_labels, epoch_arr,
        num_val_arr, nonconf_pad, W1, b1, W2, b2, Wc, bc, queue, prototypes)
    pseudo_1d = pseudo2d.reshape(B)
    pseudo_labels = jnp.concatenate((pseudo_1d, pseudo_1d, queue_pseudo))
    return (output, features, pseudo_labels, score_prot)

# --- scband reference (transcript-rebuilt; emitter-appended) ---
"""Pipeline reference for scband-pi-comodule-78984448574010 (READ-ONLY COPY).

The authoritative reference and input builder live on the scoring server;
editing this copy changes nothing except your own understanding.
"""

import jax, jax.numpy as jnp
import numpy as np

B = 1024; D = 1024; H = 1024; C = 100; LOW = 128; QN = 8192; NVAL = 5000
MOCO_M = 0.999; PROTO_M = 0.99


def _encoder(x, W1, b1, W2, b2, Wc, bc):
    h = jax.nn.relu(x @ W1 + b1)
    output = h @ Wc + bc
    probs = jax.nn.softmax(output, axis=1)
    z = h @ W2 + b2
    q = z / (jnp.linalg.norm(z, axis=1, keepdims=True) + 1e-12)
    return probs, output, q


def setup_inputs(seed: int = 0) -> dict:
    key = jax.random.key(seed)
    ks = jax.random.split(key, 12)
    original_input = jax.random.normal(ks[0], (B, D), jnp.float32)
    corrupted_input = original_input + 0.1 * jax.random.normal(ks[1], (B, D), jnp.float32)
    pl = (jax.random.uniform(ks[2], (B, C)) < 0.2).astype(jnp.float32)
    true_lab = jax.random.randint(ks[3], (B,), 0, C)
    partial_labels = pl.at[jnp.arange(B), true_lab].set(1.0)
    non_conformities_val = jnp.sort(jax.random.uniform(ks[4], (NVAL,), jnp.float32))
    W1 = jax.random.normal(ks[5], (D, H), jnp.float32) / np.sqrt(D)
    b1 = jnp.zeros((H,), jnp.float32)
    W2 = jax.random.normal(ks[6], (H, LOW), jnp.float32) / np.sqrt(H)
    b2 = jnp.zeros((LOW,), jnp.float32)
    Wc = jax.random.normal(ks[7], (H, C), jnp.float32) / np.sqrt(H)
    bc = jnp.zeros((C,), jnp.float32)
    # key encoder initialized as a copy of the query encoder (param_k.copy_(param_q))
    W1k, b1k, W2k, b2k, Wck, bck = W1, b1, W2, b2, Wc, bc
    queue = jax.random.normal(ks[8], (QN, LOW), jnp.float32)
    queue = queue / (jnp.linalg.norm(queue, axis=0, keepdims=True) + 1e-12)  # F.normalize(dim=0)
    queue_pseudo = jax.random.normal(ks[9], (QN,), jnp.float32)
    prototypes = jnp.zeros((C, LOW), jnp.float32)
    return {"original_input": original_input, "corrupted_input": corrupted_input,
            "partial_labels": partial_labels, "epoch": 12, "num_val": NVAL,
            "non_conformities_val": non_conformities_val,
            "W1": W1, "b1": b1, "W2": W2, "b2": b2, "Wc": Wc, "bc": bc,
            "W1k": W1k, "b1k": b1k, "W2k": W2k, "b2k": b2k, "Wck": Wck, "bck": bck,
            "queue": queue, "queue_pseudo": queue_pseudo, "prototypes": prototypes}


def reference(original_input, corrupted_input, partial_labels, epoch, num_val,
              non_conformities_val, W1, b1, W2, b2, Wc, bc,
              W1k, b1k, W2k, b2k, Wck, bck, queue, queue_pseudo, prototypes):
    probs, output, q = _encoder(original_input, W1, b1, W2, b2, Wc, bc)
    alpha = 0.05
    beta = jnp.mean(jnp.sum(probs * (1.0 - partial_labels), axis=1))
    eps = 0.5 ** (epoch - 9)
    new_nonconf = 1.0 - probs * (1.0 - eps)
    ranks = num_val - jnp.searchsorted(non_conformities_val, new_nonconf)
    p_vals = (ranks + 1) / (num_val + 1)
    conformal_pred_arr = jnp.where(p_vals > alpha + beta, 1.0, 0.0)
    conformal_pred = jnp.where(epoch >= 10, conformal_pred_arr, 1.0)
    common_filter = conformal_pred * partial_labels
    w_filter = jnp.where(common_filter.sum(axis=1, keepdims=True) >= 1.0,
                         common_filter, partial_labels)
    predicted_scores = probs * w_filter
    pseudo_labels_b = jnp.argmax(predicted_scores, axis=1)
    # prototype similarity uses the OLD (detached) prototypes
    protos_det = jax.lax.stop_gradient(prototypes)
    logits_prot = q @ protos_det.T
    score_prot = jax.nn.softmax(logits_prot, axis=1)
    # sequential EMA scatter-update of prototypes (order-dependent, as in the loop)
    q_det = jax.lax.stop_gradient(q)
    def body(i, p):
        lab = pseudo_labels_b[i]
        return p.at[lab].set(p[lab] * PROTO_M + (1.0 - PROTO_M) * q_det[i])
    new_prot = jax.lax.fori_loop(0, B, body, prototypes)
    new_prot = new_prot / (jnp.linalg.norm(new_prot, axis=1, keepdims=True) + 1e-12)
    # momentum update of key encoder, then key forward (no_grad)
    mk = lambda pk, pq: MOCO_M * pk + (1.0 - MOCO_M) * pq
    _, _, k = _encoder(corrupted_input, mk(W1k, W1), mk(b1k, b1), mk(W2k, W2),
                       mk(b2k, b2), mk(Wck, Wc), mk(bck, bc))
    k = jax.lax.stop_gradient(k)
    features = jnp.concatenate((q, k, jax.lax.stop_gradient(queue)), axis=0)
    pseudo_labels = jnp.concatenate((pseudo_labels_b.astype(jnp.float32),
                                     pseudo_labels_b.astype(jnp.float32),
                                     queue_pseudo), axis=0)
    # dequeue_and_enqueue: contiguous row-range scatter overwrite (ptr=0)
    new_queue = queue.at[0:B].set(k)
    new_queue_pseudo = queue_pseudo.at[0:B].set(pseudo_labels_b.astype(jnp.float32))
    del new_queue, new_queue_pseudo, new_prot  # buffer side effects, not returned
    return (output, features, pseudo_labels, score_prot)

if __name__ == "__main__":
    import jax
    _d = setup_inputs()
    print(jax.jit(kernel)(*tuple(_d.values())))

</pallas_src>

<mosaic_0001>
#map = affine_map<(d0, d1) -> (0, 0)>
module attributes {stable_mosaic.version = 14 : i64} {
  func.func @_sc_queue_copy(%arg0: i32, %arg1: i32, %arg2: memref<8192x128xf32, #tpu.memory_space<hbm>>, %arg3: memref<10240x128xf32, #tpu.memory_space<hbm>>, %arg4: memref<256x128xf32, #tpu.memory_space<vmem>>) attributes {dimension_semantics = [#tpu.dimension_semantics<core_parallel>, #tpu.dimension_semantics<subcore_parallel>], iteration_bounds = array<i64: 2, 16>, scalar_prefetch = 0 : i64, scratch_operands = 1 : i64, tpu.core_type = #tpu.core_type<sc_vector_subcore>, window_params = [{transform_indices = #map}, {transform_indices = #map}]} {
    %mul3A = arith.constant 2 : i32
    %mul3A_0 = arith.muli %arg1, %mul3A : i32
    %add3A = arith.addi %mul3A_0, %arg0 : i32
    %mul3A_1 = arith.constant 256 : i32
    %mul3A_2 = arith.muli %add3A, %mul3A_1 : i32
    "tpu.region"() ({
      %run_scoped3A = tpu.sem_alloc : memref<!tpu.dma_semaphore, #tpu.memory_space<semaphore_mem>>
      %dma_start3A = arith.constant 0 : i32
      %dma_start3A_5 = tpu.memref_slice %arg2[%mul3A_2, %dma_start3A] : memref<8192x128xf32, #tpu.memory_space<hbm>> -> memref<256x128xf32, #tpu.memory_space<hbm>>
      %dma_start3A_6 = arith.constant 0 : i32
      %dma_start3A_7 = tpu.memref_slice %arg2[%mul3A_2, %dma_start3A_6] : memref<8192x128xf32, #tpu.memory_space<hbm>> -> memref<256x128xf32, #tpu.memory_space<hbm>>
      tpu.enqueue_dma source(%dma_start3A_7 : memref<256x128xf32, #tpu.memory_space<hbm>>) target(%arg4 : memref<256x128xf32, #tpu.memory_space<vmem>>) target_semaphore(%run_scoped3A : memref<!tpu.dma_semaphore, #tpu.memory_space<semaphore_mem>>)
      %dma_wait3A = arith.constant 0 : i32
      %dma_wait3A_8 = tpu.memref_slice %arg2[%mul3A_2, %dma_wait3A] : memref<8192x128xf32, #tpu.memory_space<hbm>> -> memref<256x128xf32, #tpu.memory_space<hbm>>
      %dma_wait3A_9 = arith.constant 0 : i32
      %dma_wait3A_10 = tpu.memref_slice %arg2[%mul3A_2, %dma_wait3A_9] : memref<8192x128xf32, #tpu.memory_space<hbm>> -> memref<256x128xf32, #tpu.memory_space<hbm>>
      tpu.wait_dma2 semaphore(%run_scoped3A : memref<!tpu.dma_semaphore, #tpu.memory_space<semaphore_mem>>) src(%dma_wait3A_10 : memref<256x128xf32, #tpu.memory_space<hbm>>) dst(%arg4 : memref<256x128xf32, #tpu.memory_space<vmem>>)
      tpu.yield
    }) : () -> ()
    %add3A_3 = arith.constant 2048 : i32
    %add3A_4 = arith.addi %add3A_3, %mul3A_2 : i32
    "tpu.region"() ({
      %run_scoped3A = tpu.sem_alloc : memref<!tpu.dma_semaphore, #tpu.memory_space<semaphore_mem>>
      %dma_start3A = arith.constant 0 : i32
      %dma_start3A_5 = tpu.memref_slice %arg3[%add3A_4, %dma_start3A] : memref<10240x128xf32, #tpu.memory_space<hbm>> -> memref<256x128xf32, #tpu.memory_space<hbm>>
      %dma_start3A_6 = arith.constant 0 : i32
      %dma_start3A_7 = tpu.memref_slice %arg3[%add3A_4, %dma_start3A_6] : memref<10240x128xf32, #tpu.memory_space<hbm>> -> memref<256x128xf32, #tpu.memory_space<hbm>>
      tpu.enqueue_dma source(%arg4 : memref<256x128xf32, #tpu.memory_space<vmem>>) target(%dma_start3A_7 : memref<256x128xf32, #tpu.memory_space<hbm>>) target_semaphore(%run_scoped3A : memref<!tpu.dma_semaphore, #tpu.memory_space<semaphore_mem>>)
      %dma_wait3A = arith.constant 0 : i32
      %dma_wait3A_8 = tpu.memref_slice %arg3[%add3A_4, %dma_wait3A] : memref<10240x128xf32, #tpu.memory_space<hbm>> -> memref<256x128xf32, #tpu.memory_space<hbm>>
      %dma_wait3A_9 = arith.constant 0 : i32
      %dma_wait3A_10 = tpu.memref_slice %arg3[%add3A_4, %dma_wait3A_9] : memref<10240x128xf32, #tpu.memory_space<hbm>> -> memref<256x128xf32, #tpu.memory_space<hbm>>
      tpu.wait_dma2 semaphore(%run_scoped3A : memref<!tpu.dma_semaphore, #tpu.memory_space<semaphore_mem>>) src(%arg4 : memref<256x128xf32, #tpu.memory_space<vmem>>) dst(%dma_wait3A_10 : memref<256x128xf32, #tpu.memory_space<hbm>>)
      tpu.yield
    }) : () -> ()
    return
  }
}

module attributes {stable_mosaic.version = 14 : i64} {
  func.func @_merge_kernel(%arg0: memref<10240x128xf32, #tpu.memory_space<hbm>>, %arg1: memref<1024x128xf32, #tpu.memory_space<vmem>>, %arg2: memref<1024x128xf32, #tpu.memory_space<vmem>>, %arg3: memref<10240x128xf32, #tpu.memory_space<hbm>>, %arg4: memref<!tpu.dma_semaphore, #tpu.memory_space<semaphore_mem>>, %arg5: memref<!tpu.dma_semaphore, #tpu.memory_space<semaphore_mem>>) attributes {dimension_semantics = [], scalar_prefetch = 0 : i64, scratch_operands = 2 : i64, tpu.core_type = #tpu.core_type<tc>} {
    %dma_start3A = arith.constant 0 : i32
    %dma_start3A_0 = arith.constant 0 : i32
    %dma_start3A_1 = tpu.memref_slice %arg3[%dma_start3A, %dma_start3A_0] : memref<10240x128xf32, #tpu.memory_space<hbm>> -> memref<1024x128xf32, #tpu.memory_space<hbm>>
    tpu.enqueue_dma source(%arg1 : memref<1024x128xf32, #tpu.memory_space<vmem>>) target(%dma_start3A_1 : memref<1024x128xf32, #tpu.memory_space<hbm>>) target_semaphore(%arg4 : memref<!tpu.dma_semaphore, #tpu.memory_space<semaphore_mem>>)
    %dma_start3A_2 = arith.constant 1024 : i32
    %dma_start3A_3 = arith.constant 0 : i32
    %dma_start3A_4 = tpu.memref_slice %arg3[%dma_start3A_2, %dma_start3A_3] : memref<10240x128xf32, #tpu.memory_space<hbm>> -> memref<1024x128xf32, #tpu.memory_space<hbm>>
    tpu.enqueue_dma source(%arg2 : memref<1024x128xf32, #tpu.memory_space<vmem>>) target(%dma_start3A_4 : memref<1024x128xf32, #tpu.memory_space<hbm>>) target_semaphore(%arg5 : memref<!tpu.dma_semaphore, #tpu.memory_space<semaphore_mem>>)
    %dma_wait3A = arith.constant 0 : i32
    %dma_wait3A_5 = arith.constant 0 : i32
    %dma_wait3A_6 = tpu.memref_slice %arg3[%dma_wait3A, %dma_wait3A_5] : memref<10240x128xf32, #tpu.memory_space<hbm>> -> memref<1024x128xf32, #tpu.memory_space<hbm>>
    tpu.wait_dma2 semaphore(%arg4 : memref<!tpu.dma_semaphore, #tpu.memory_space<semaphore_mem>>) src(%arg1 : memref<1024x128xf32, #tpu.memory_space<vmem>>) dst(%dma_wait3A_6 : memref<1024x128xf32, #tpu.memory_space<hbm>>)
    %dma_wait3A_7 = arith.constant 1024 : i32
    %dma_wait3A_8 = arith.constant 0 : i32
    %dma_wait3A_9 = tpu.memref_slice %arg3[%dma_wait3A_7, %dma_wait3A_8] : memref<10240x128xf32, #tpu.memory_space<hbm>> -> memref<1024x128xf32, #tpu.memory_space<hbm>>
    tpu.wait_dma2 semaphore(%arg5 : memref<!tpu.dma_semaphore, #tpu.memory_space<semaphore_mem>>) src(%arg2 : memref<1024x128xf32, #tpu.memory_space<vmem>>) dst(%dma_wait3A_9 : memref<1024x128xf32, #tpu.memory_space<hbm>>)
    return
  }
}

module attributes {stable_mosaic.version = 14 : i64} {
  func.func @_main_kernel(%arg0: i32, %arg1: memref<1xi32, #tpu.memory_space<smem>>, %arg2: memref<1xi32, #tpu.memory_space<smem>>, %arg3: memref<256x1024xf32, #tpu.memory_space<vmem>>, %arg4: memref<256x1024xf32, #tpu.memory_space<vmem>>, %arg5: memref<1024x100xf32, #tpu.memory_space<vmem>>, %arg6: memref<8x640xf32, #tpu.memory_space<vmem>>, %arg7: memref<1024x1024xf32, #tpu.memory_space<vmem>>, %arg8: memref<1024xf32, #tpu.memory_space<vmem>>, %arg9: memref<1024x128xf32, #tpu.memory_space<vmem>>, %arg10: memref<128xf32, #tpu.memory_space<vmem>>, %arg11: memref<1024x100xf32, #tpu.memory_space<vmem>>, %arg12: memref<100xf32, #tpu.memory_space<vmem>>, %arg13: memref<100x128xf32, #tpu.memory_space<vmem>>, %arg14: memref<256x100xf32, #tpu.memory_space<vmem>>, %arg15: memref<256x128xf32, #tpu.memory_space<vmem>>, %arg16: memref<256x128xf32, #tpu.memory_space<vmem>>, %arg17: memref<1024x1xf32, #tpu.memory_space<vmem>>, %arg18: memref<256x100xf32, #tpu.memory_space<vmem>>, %arg19: memref<1024x100xf32, #tpu.memory_space<vmem>>, %arg20: memref<1xf32, #tpu.memory_space<smem>>) attributes {dimension_semantics = [#tpu.dimension_semantics<arbitrary>], iteration_bounds = array<i64: 5>, scalar_prefetch = 0 : i64, scratch_operands = 2 : i64, tpu.core_type = #tpu.core_type<tc>, window_params = [{transform_indices = @transform_0, window_bounds = array<i64: 1>}, {transform_indices = @transform_1, window_bounds = array<i64: 1>}, {transform_indices = @transform_2, window_bounds = array<i64: 256, 1024>}, {transform_indices = @transform_3, window_bounds = array<i64: 256, 1024>}, {pipeline_mode = #tpu.pipeline_mode<synchronous>, transform_indices = @transform_4, window_bounds = array<i64: 1024, 100>}, {pipeline_mode = #tpu.pipeline_mode<synchronous>, transform_indices = @transform_5, window_bounds = array<i64: 8, 640>}, {pipeline_mode = #tpu.pipeline_mode<synchronous>, transform_indices = @transform_6, window_bounds = array<i64: 1024, 1024>}, {pipeline_mode = #tpu.pipeline_mode<synchronous>, transform_indices = @transform_7, window_bounds = array<i64: 1024>}, {pipeline_mode = #tpu.pipeline_mode<synchronous>, transform_indices = @transform_8, window_bounds = array<i64: 1024, 128>}, {pipeline_mode = #tpu.pipeline_mode<synchronous>, transform_indices = @transform_9, window_bounds = array<i64: 128>}, {pipeline_mode = #tpu.pipeline_mode<synchronous>, transform_indices = @transform_10, window_bounds = array<i64: 1024, 100>}, {pipeline_mode = #tpu.pipeline_mode<synchronous>, transform_indices = @transform_11, window_bounds = array<i64: 100>}, {pipeline_mode = #tpu.pipeline_mode<synchronous>, transform_indices = @transform_12, window_bounds = array<i64: 100, 128>}, {transform_indices = @transform_13, window_bounds = array<i64: 256, 100>}, {transform_indices = @transform_14, window_bounds = array<i64: 256, 128>}, {transform_indices = @transform_15, window_bounds = array<i64: 256, 128>}, {pipeline_mode = #tpu.pipeline_mode<synchronous>, transform_indices = @transform_16, window_bounds = array<i64: 1024, 1>}, {transform_indices = @transform_17, window_bounds = array<i64: 256, 100>}]} {
    %lt3A = arith.constant 4 : i32
    %lt3A_0 = arith.cmpi slt, %arg0, %lt3A : i32
    %convert_element_type3A = arith.extui %lt3A_0 : i1 to i32
    %cond3A = arith.constant 0 : i32
    %cond3A_1 = arith.cmpi ne, %convert_element_type3A, %cond3A : i32
    scf.if %cond3A_1 {
      %get3A = arith.constant 0 : index
      %get3A_6 = arith.constant 0 : index
      %get3A_7 = vector.load %arg7[%get3A, %get3A_6] : memref<1024x1024xf32, #tpu.memory_space<vmem>>, vector<1024x1024xf32>
      %get3A_8 = arith.constant 0 : index
      %get3A_9 = vector.load %arg8[%get3A_8] : memref<1024xf32, #tpu.memory_space<vmem>>, vector<1024xf32>
      %get3A_10 = arith.constant 0 : index
      %get3A_11 = arith.constant 0 : index
      %get3A_12 = vector.load %arg9[%get3A_10, %get3A_11] : memref<1024x128xf32, #tpu.memory_space<vmem>>, vector<1024x128xf32>
      %get3A_13 = arith.constant 0 : index
      %get3A_14 = vector.load %arg10[%get3A_13] : memref<128xf32, #tpu.memory_space<vmem>>, vector<128xf32>
      %get3A_15 = arith.constant 0 : index
      %get3A_16 = arith.constant 0 : index
      %get3A_17 = vector.load %arg3[%get3A_15, %get3A_16] : memref<256x1024xf32, #tpu.memory_space<vmem>>, vector<256x1024xf32>
      %dot_general3A = arith.constant dense<0.000000e+00> : vector<256x1024xf32>
      %dot_general3A_18 = tpu.matmul %get3A_17, %get3A_7, %dot_general3A {dimension_numbers = #tpu.dot_dimension_numbers<[1], [0], [0], [1], [0, 0, 1, 1], [], []>, transpose_lhs_hint = false} : vector<256x1024xf32>, vector<1024x1024xf32>, vector<256x1024xf32> -> vector<256x1024xf32>
      %broadcast_in_dim3A = vector.shape_cast %get3A_9 : vector<1024xf32> to vector<1x1024xf32>
      %add3A = vector.broadcast %broadcast_in_dim3A : vector<1x1024xf32> to vector<256x1024xf32>
      %add3A_19 = arith.addf %dot_general3A_18, %add3A : vector<256x1024xf32>
      %max3A = arith.constant 0.000000e+00 : f32
      %max3A_20 = vector.broadcast %max3A : f32 to vector<256x1024xf32>
      %max3A_21 = arith.maximumf %add3A_19, %max3A_20 : vector<256x1024xf32>
      %get3A_22 = arith.constant 0 : index
      %get3A_23 = arith.constant 0 : index
      %get3A_24 = vector.load %arg11[%get3A_22, %get3A_23] : memref<1024x100xf32, #tpu.memory_space<vmem>>, vector<1024x100xf32>
      %dot_general3A_25 = arith.constant dense<0.000000e+00> : vector<256x100xf32>
      %dot_general3A_26 = tpu.matmul %max3A_21, %get3A_24, %dot_general3A_25 {dimension_numbers = #tpu.dot_dimension_numbers<[1], [0], [0], [1], [0, 0, 1, 1], [], []>, transpose_lhs_hint = false} : vector<256x1024xf32>, vector<1024x100xf32>, vector<256x100xf32> -> vector<256x100xf32>
      %get3A_27 = arith.constant 0 : index
      %get3A_28 = vector.load %arg12[%get3A_27] : memref<100xf32, #tpu.memory_space<vmem>>, vector<100xf32>
      %broadcast_in_dim3A_29 = vector.shape_cast %get3A_28 : vector<100xf32> to vector<1x100xf32>
      %add3A_30 = vector.broadcast %broadcast_in_dim3A_29 : vector<1x100xf32> to vector<256x100xf32>
      %add3A_31 = arith.addf %dot_general3A_26, %add3A_30 : vector<256x100xf32>
      %swap3A = arith.constant 0 : index
      %swap3A_32 = arith.constant 0 : index
      %swap3A_33 = vector.load %arg14[%swap3A, %swap3A_32] : memref<256x100xf32, #tpu.memory_space<vmem>>, vector<256x100xf32>
      tpu.vector_store %arg14[%swap3A, %swap3A_32], %add3A_31 {strides = array<i32>} : memref<256x100xf32, #tpu.memory_space<vmem>>, vector<256x100xf32>,
      %reduce_max3A = arith.constant dense<0xFF800000> : vector<256xf32>
      %reduce_max3A_34 = vector.multi_reduction <maximumf>, %add3A_31, %reduce_max3A [1] : vector<256x100xf32> to vector<256xf32>
      %broadcast_in_dim3A_35 = vector.shape_cast %reduce_max3A_34 : vector<256xf32> to vector<256x1xf32>
      %sub3A = vector.broadcast %broadcast_in_dim3A_35 : vector<256x1xf32> to vector<256x100xf32>
      %sub3A_36 = arith.subf %add3A_31, %sub3A : vector<256x100xf32>
      %exp3A = math.exp %sub3A_36 : vector<256x100xf32>
      %reduce_sum3A = arith.constant dense<0.000000e+00> : vector<256xf32>
      %reduce_sum3A_37 = vector.multi_reduction <add>, %exp3A, %reduce_sum3A [1] : vector<256x100xf32> to vector<256xf32>
      %broadcast_in_dim3A_38 = vector.shape_cast %reduce_sum3A_37 : vector<256xf32> to vector<256x1xf32>
      %div3A = vector.broadcast %broadcast_in_dim3A_38 : vector<256x1xf32> to vector<256x100xf32>
      %div3A_39 = arith.divf %exp3A, %div3A : vector<256x100xf32>
      %mul3A = arith.constant 256 : i32
      %mul3A_40 = arith.muli %arg0, %mul3A : i32
      %swap3A_41 = arith.index_cast %mul3A_40 : i32 to index
      %swap3A_42 = arith.constant 0 : index
      %swap3A_43 = vector.load %arg19[%swap3A_41, %swap3A_42] : memref<1024x100xf32, #tpu.memory_space<vmem>>, vector<256x100xf32>
      tpu.vector_store %arg19[%swap3A_41, %swap3A_42], %div3A_39 {strides = array<i32>} : memref<1024x100xf32, #tpu.memory_space<vmem>>, vector<256x100xf32>,
      %eq3A_44 = arith.constant 0 : i32
      %eq3A_45 = arith.cmpi eq, %arg0, %eq3A_44 : i32
      %convert_element_type3A_46 = arith.extui %eq3A_45 : i1 to i32
      %cond3A_47 = arith.constant 0 : i32
      %cond3A_48 = arith.cmpi ne, %convert_element_type3A_46, %cond3A_47 : i32
      scf.if %cond3A_48 {
        %swap3A_133 = arith.constant 0.000000e+00 : f32
        %swap3A_134 = arith.constant 0 : index
        %swap3A_135 = memref.load %arg20[%swap3A_134] : memref<1xf32, #tpu.memory_space<smem>>
        memref.store %swap3A_133, %arg20[%swap3A_134] : memref<1xf32, #tpu.memory_space<smem>>
      } else {
      }
      %get3A_49 = arith.constant 0 : index
      %get3A_50 = memref.load %arg20[%get3A_49] : memref<1xf32, #tpu.memory_space<smem>>
      %mul3A_51 = arith.constant 256 : i32
      %mul3A_52 = arith.muli %arg0, %mul3A_51 : i32
      %get3A_53 = arith.index_cast %mul3A_52 : i32 to index
      %get3A_54 = arith.constant 0 : index
      %get3A_55 = vector.load %arg5[%get3A_53, %get3A_54] : memref<1024x100xf32, #tpu.memory_space<vmem>>, vector<256x100xf32>
      %sub3A_56 = arith.constant 1.000000e+00 : f32
      %sub3A_57 = vector.broadcast %sub3A_56 : f32 to vector<256x100xf32>
      %sub3A_58 = arith.subf %sub3A_57, %get3A_55 : vector<256x100xf32>
      %mul3A_59 = arith.mulf %div3A_39, %sub3A_58 : vector<256x100xf32>
      %reduce_sum3A_60 = vector.shape_cast %mul3A_59 : vector<256x100xf32> to vector<1x256x100xf32>
      %reduce_sum3A_61 = arith.constant dense<0.000000e+00> : vector<1xf32>
      %reduce_sum3A_62 = vector.multi_reduction <add>, %reduce_sum3A_60, %reduce_sum3A_61 [1, 2] : vector<1x256x100xf32> to vector<1xf32>
      %reduce_sum3A_63 = vector.shape_cast %reduce_sum3A_62 : vector<1xf32> to vector<1x1x1xf32>
      %reduce_sum3A_64 = vector.extract %reduce_sum3A_63[0, 0, 0] : f32 from vector<1x1x1xf32>
      %add3A_65 = arith.addf %get3A_50, %reduce_sum3A_64 : f32
      %swap3A_66 = arith.constant 0 : index
      %swap3A_67 = memref.load %arg20[%swap3A_66] : memref<1xf32, #tpu.memory_space<smem>>
      memref.store %add3A_65, %arg20[%swap3A_66] : memref<1xf32, #tpu.memory_space<smem>>
      %dot_general3A_68 = arith.constant dense<0.000000e+00> : vector<256x128xf32>
      %dot_general3A_69 = tpu.matmul %max3A_21, %get3A_12, %dot_general3A_68 {dimension_numbers = #tpu.dot_dimension_numbers<[1], [0], [0], [1], [0, 0, 1, 1], [], []>, transpose_lhs_hint = false} : vector<256x1024xf32>, vector<1024x128xf32>, vector<256x128xf32> -> vector<256x128xf32>
      %broadcast_in_dim3A_70 = vector.shape_cast %get3A_14 : vector<128xf32> to vector<1x128xf32>
      %add3A_71 = vector.broadcast %broadcast_in_dim3A_70 : vector<1x128xf32> to vector<256x128xf32>
      %add3A_72 = arith.addf %dot_general3A_69, %add3A_71 : vector<256x128xf32>
      %mul3A_73 = arith.mulf %add3A_72, %add3A_72 : vector<256x128xf32>
      %reduce_sum3A_74 = arith.constant dense<0.000000e+00> : vector<256xf32>
      %reduce_sum3A_75 = vector.multi_reduction <add>, %mul3A_73, %reduce_sum3A_74 [1] : vector<256x128xf32> to vector<256xf32>
      %broadcast_in_dim3A_76 = vector.shape_cast %reduce_sum3A_75 : vector<256xf32> to vector<256x1xf32>
      %sqrt3A = math.sqrt %broadcast_in_dim3A_76 : vector<256x1xf32>
      %add3A_77 = arith.constant 9.99999996E-13 : f32
      %add3A_78 = vector.broadcast %add3A_77 : f32 to vector<256x1xf32>
      %add3A_79 = arith.addf %sqrt3A, %add3A_78 : vector<256x1xf32>
      %div3A_80 = vector.broadcast %add3A_79 : vector<256x1xf32> to vector<256x128xf32>
      %div3A_81 = arith.divf %add3A_72, %div3A_80 : vector<256x128xf32>
      %swap3A_82 = arith.constant 0 : index
      %swap3A_83 = arith.constant 0 : index
      %swap3A_84 = vector.load %arg15[%swap3A_82, %swap3A_83] : memref<256x128xf32, #tpu.memory_space<vmem>>, vector<256x128xf32>
      tpu.vector_store %arg15[%swap3A_82, %swap3A_83], %div3A_81 {strides = array<i32>} : memref<256x128xf32, #tpu.memory_space<vmem>>, vector<256x128xf32>,
      %get3A_85 = arith.constant 0 : index
      %get3A_86 = arith.constant 0 : index
      %get3A_87 = vector.load %arg4[%get3A_85, %get3A_86] : memref<256x1024xf32, #tpu.memory_space<vmem>>, vector<256x1024xf32>
      %dot_general3A_88 = arith.constant dense<0.000000e+00> : vector<256x1024xf32>
      %dot_general3A_89 = tpu.matmul %get3A_87, %get3A_7, %dot_general3A_88 {dimension_numbers = #tpu.dot_dimension_numbers<[1], [0], [0], [1], [0, 0, 1, 1], [], []>, transpose_lhs_hint = false} : vector<256x1024xf32>, vector<1024x1024xf32>, vector<256x1024xf32> -> vector<256x1024xf32>
      %broadcast_in_dim3A_90 = vector.shape_cast %get3A_9 : vector<1024xf32> to vector<1x1024xf32>
      %add3A_91 = vector.broadcast %broadcast_in_dim3A_90 : vector<1x1024xf32> to vector<256x1024xf32>
      %add3A_92 = arith.addf %dot_general3A_89, %add3A_91 : vector<256x1024xf32>
      %max3A_93 = arith.constant 0.000000e+00 : f32
      %max3A_94 = vector.broadcast %max3A_93 : f32 to vector<256x1024xf32>
      %max3A_95 = arith.maximumf %add3A_92, %max3A_94 : vector<256x1024xf32>
      %dot_general3A_96 = arith.constant dense<0.000000e+00> : vector<256x128xf32>
      %dot_general3A_97 = tpu.matmul %max3A_95, %get3A_12, %dot_general3A_96 {dimension_numbers = #tpu.dot_dimension_numbers<[1], [0], [0], [1], [0, 0, 1, 1], [], []>, transpose_lhs_hint = false} : vector<256x1024xf32>, vector<1024x128xf32>, vector<256x128xf32> -> vector<256x128xf32>
      %broadcast_in_dim3A_98 = vector.shape_cast %get3A_14 : vector<128xf32> to vector<1x128xf32>
      %add3A_99 = vector.broadcast %broadcast_in_dim3A_98 : vector<1x128xf32> to vector<256x128xf32>
      %add3A_100 = arith.addf %dot_general3A_97, %add3A_99 : vector<256x128xf32>
      %mul3A_101 = arith.mulf %add3A_100, %add3A_100 : vector<256x128xf32>
      %reduce_sum3A_102 = arith.constant dense<0.000000e+00> : vector<256xf32>
      %reduce_sum3A_103 = vector.multi_reduction <add>, %mul3A_101, %reduce_sum3A_102 [1] : vector<256x128xf32> to vector<256xf32>
      %broadcast_in_dim3A_104 = vector.shape_cast %reduce_sum3A_103 : vector<256xf32> to vector<256x1xf32>
      %sqrt3A_105 = math.sqrt %broadcast_in_dim3A_104 : vector<256x1xf32>
      %add3A_106 = arith.constant 9.99999996E-13 : f32
      %add3A_107 = vector.broadcast %add3A_106 : f32 to vector<256x1xf32>
      %add3A_108 = arith.addf %sqrt3A_105, %add3A_107 : vector<256x1xf32>
      %div3A_109 = vector.broadcast %add3A_108 : vector<256x1xf32> to vector<256x128xf32>
      %div3A_110 = arith.divf %add3A_100, %div3A_109 : vector<256x128xf32>
      %swap3A_111 = arith.constant 0 : index
      %swap3A_112 = arith.constant 0 : index
      %swap3A_113 = vector.load %arg16[%swap3A_111, %swap3A_112] : memref<256x128xf32, #tpu.memory_space<vmem>>, vector<256x128xf32>
      tpu.vector_store %arg16[%swap3A_111, %swap3A_112], %div3A_110 {strides = array<i32>} : memref<256x128xf32, #tpu.memory_space<vmem>>, vector<256x128xf32>,
      %get3A_114 = arith.constant 0 : index
      %get3A_115 = arith.constant 0 : index
      %get3A_116 = vector.load %arg13[%get3A_114, %get3A_115] : memref<100x128xf32, #tpu.memory_space<vmem>>, vector<100x128xf32>
      %dot_general3A_117 = arith.constant dense<0.000000e+00> : vector<256x100xf32>
      %dot_general3A_118 = tpu.matmul %div3A_81, %get3A_116, %dot_general3A_117 {dimension_numbers = #tpu.dot_dimension_numbers<[1], [1], [0], [0], [0, 0, 1, 0], [], []>, transpose_lhs_hint = false} : vector<256x128xf32>, vector<100x128xf32>, vector<256x100xf32> -> vector<256x100xf32>
      %reduce_max3A_119 = arith.constant dense<0xFF800000> : vector<256xf32>
      %reduce_max3A_120 = vector.multi_reduction <maximumf>, %dot_general3A_118, %reduce_max3A_119 [1] : vector<256x100xf32> to vector<256xf32>
      %broadcast_in_dim3A_121 = vector.shape_cast %reduce_max3A_120 : vector<256xf32> to vector<256x1xf32>
      %sub3A_122 = vector.broadcast %broadcast_in_dim3A_121 : vector<256x1xf32> to vector<256x100xf32>
      %sub3A_123 = arith.subf %dot_general3A_118, %sub3A_122 : vector<256x100xf32>
      %exp3A_124 = math.exp %sub3A_123 : vector<256x100xf32>
      %reduce_sum3A_125 = arith.constant dense<0.000000e+00> : vector<256xf32>
      %reduce_sum3A_126 = vector.multi_reduction <add>, %exp3A_124, %reduce_sum3A_125 [1] : vector<256x100xf32> to vector<256xf32>
      %broadcast_in_dim3A_127 = vector.shape_cast %reduce_sum3A_126 : vector<256xf32> to vector<256x1xf32>
      %div3A_128 = vector.broadcast %broadcast_in_dim3A_127 : vector<256x1xf32> to vector<256x100xf32>
      %div3A_129 = arith.divf %exp3A_124, %div3A_128 : vector<256x100xf32>
      %swap3A_130 = arith.constant 0 : index
      %swap3A_131 = arith.constant 0 : index
      %swap3A_132 = vector.load %arg18[%swap3A_130, %swap3A_131] : memref<256x100xf32, #tpu.memory_space<vmem>>, vector<256x100xf32>
      tpu.vector_store %arg18[%swap3A_130, %swap3A_131], %div3A_129 {strides = array<i32>} : memref<256x100xf32, #tpu.memory_space<vmem>>, vector<256x100xf32>,
    } else {
    }
    %eq3A = arith.constant 4 : i32
    %eq3A_2 = arith.cmpi eq, %arg0, %eq3A : i32
    %convert_element_type3A_3 = arith.extui %eq3A_2 : i1 to i32
    %cond3A_4 = arith.constant 0 : i32
    %cond3A_5 = arith.cmpi ne, %convert_element_type3A_3, %cond3A_4 : i32
    scf.if %cond3A_5 {
      %get3A = arith.constant 0 : index
      %get3A_6 = memref.load %arg1[%get3A] : memref<1xi32, #tpu.memory_space<smem>>
      %get3A_7 = arith.constant 0 : index
      %get3A_8 = memref.load %arg2[%get3A_7] : memref<1xi32, #tpu.memory_space<smem>>
      %get3A_9 = arith.constant 0 : index
      %get3A_10 = memref.load %arg20[%get3A_9] : memref<1xf32, #tpu.memory_space<smem>>
      %div3A = arith.constant 1.024000e+03 : f32
      %div3A_11 = arith.divf %get3A_10, %div3A : f32
      %add3A = arith.constant 5.000000e-02 : f32
      %add3A_12 = arith.addf %add3A, %div3A_11 : f32
      %iota3A = tpu.iota {dimensions = array<i32: 0>} : vector<8x640xi32>
      %iota3A_13 = tpu.iota {dimensions = array<i32: 1>} : vector<8x640xi32>
      %mul3A = arith.constant 640 : i32
      %mul3A_14 = vector.broadcast %mul3A : i32 to vector<8x640xi32>
      %mul3A_15 = arith.muli %iota3A, %mul3A_14 : vector<8x640xi32>
      %add3A_16 = arith.addi %mul3A_15, %iota3A_13 : vector<8x640xi32>
      %add3A_17 = arith.constant 1 : i32
      %add3A_18 = arith.addi %get3A_8, %add3A_17 : i32
      %sub3A = vector.broadcast %add3A_18 : i32 to vector<8x640xi32>
      %sub3A_19 = arith.subi %sub3A, %add3A_16 : vector<8x640xi32>
      %convert_element_type3A_20 = arith.sitofp %sub3A_19 : vector<8x640xi32> to vector<8x640xf32>
      %add3A_21 = arith.constant 1 : i32
      %add3A_22 = arith.addi %get3A_8, %add3A_21 : i32
      %convert_element_type3A_23 = arith.sitofp %add3A_22 : i32 to f32
      %div3A_24 = vector.broadcast %convert_element_type3A_23 : f32 to vector<8x640xf32>
      %div3A_25 = arith.divf %convert_element_type3A_20, %div3A_24 : vector<8x640xf32>
      %le3A = vector.broadcast %get3A_8 : i32 to vector<8x640xi32>
      %le3A_26 = arith.cmpi sle, %add3A_16, %le3A : vector<8x640xi32>
      %gt3A = vector.broadcast %add3A_12 : f32 to vector<8x640xf32>
      %gt3A_27 = arith.cmpf ogt, %div3A_25, %gt3A : vector<8x640xf32>
      %and3A = arith.andi %le3A_26, %gt3A_27 : vector<8x640xi1>
      %jit3A = arith.constant 1 : i32
      %jit3A_28 = arith.constant 0 : i32
      %broadcast_in_dim3A = vector.broadcast %jit3A : i32 to vector<8x640xi32>
      %broadcast_in_dim3A_29 = vector.broadcast %jit3A_28 : i32 to vector<8x640xi32>
      %select_n3A = arith.select %and3A, %broadcast_in_dim3A, %broadcast_in_dim3A_29 : vector<8x640xi1>, vector<8x640xi32>
      %reduce_sum3A = vector.shape_cast %select_n3A : vector<8x640xi32> to vector<1x8x640xi32>
      %reduce_sum3A_30 = arith.constant dense<0> : vector<1xi32>
      %reduce_sum3A_31 = vector.multi_reduction <add>, %reduce_sum3A, %reduce_sum3A_30 [1, 2] : vector<1x8x640xi32> to vector<1xi32>
      %reduce_sum3A_32 = vector.shape_cast %reduce_sum3A_31 : vector<1xi32> to vector<1x1x1xi32>
      %reduce_sum3A_33 = vector.extract %reduce_sum3A_32[0, 0, 0] : i32 from vector<1x1x1xi32>
      %sub3A_34 = arith.constant 1 : i32
      %sub3A_35 = arith.subi %reduce_sum3A_33, %sub3A_34 : i32
      %le3A_36 = vector.broadcast %sub3A_35 : i32 to vector<8x640xi32>
      %le3A_37 = arith.cmpi sle, %add3A_16, %le3A_36 : vector<8x640xi32>
      %get3A_38 = arith.constant 0 : index
      %get3A_39 = arith.constant 0 : index
      %get3A_40 = vector.load %arg6[%get3A_38, %get3A_39] : memref<8x640xf32, #tpu.memory_space<vmem>>, vector<8x640xf32>
      %jit3A_41 = arith.constant -1.000000e+00 : f32
      %broadcast_in_dim3A_42 = vector.broadcast %jit3A_41 : f32 to vector<8x640xf32>
      %select_n3A_43 = arith.select %le3A_37, %get3A_40, %broadcast_in_dim3A_42 : vector<8x640xi1>, vector<8x640xf32>
      %reduce_max3A = vector.shape_cast %select_n3A_43 : vector<8x640xf32> to vector<1x8x640xf32>
      %reduce_max3A_44 = arith.constant dense<0xFF800000> : vector<1xf32>
      %reduce_max3A_45 = vector.multi_reduction <maximumf>, %reduce_max3A, %reduce_max3A_44 [1, 2] : vector<1x8x640xf32> to vector<1xf32>
      %reduce_max3A_46 = vector.shape_cast %reduce_max3A_45 : vector<1xf32> to vector<1x1x1xf32>
      %reduce_max3A_47 = vector.extract %reduce_max3A_46[0, 0, 0] : f32 from vector<1x1x1xf32>
      %ge3A = arith.constant 10 : i32
      %ge3A_48 = arith.cmpi sge, %get3A_6, %ge3A : i32
      %jit3A_49 = arith.constant 2.000000e+00 : f32
      %select_n3A_50 = arith.select %ge3A_48, %reduce_max3A_47, %jit3A_49 : f32
      %sub3A_51 = arith.constant 9 : i32
      %sub3A_52 = arith.subi %get3A_6, %sub3A_51 : i32
      %convert_element_type3A_53 = arith.sitofp %sub3A_52 : i32 to f32
      %neg3A = arith.constant 0.000000e+00 : f32
      %neg3A_54 = arith.subf %neg3A, %convert_element_type3A_53 : f32
      %exp23A = math.exp2 %neg3A_54 : f32
      %get3A_55 = arith.constant 0 : index
      %get3A_56 = arith.constant 0 : index
      %get3A_57 = vector.load %arg19[%get3A_55, %get3A_56] : memref<1024x100xf32, #tpu.memory_space<vmem>>, vector<1024x100xf32>
      %get3A_58 = arith.constant 0 : index
      %get3A_59 = arith.constant 0 : index
      %get3A_60 = vector.load %arg5[%get3A_58, %get3A_59] : memref<1024x100xf32, #tpu.memory_space<vmem>>, vector<1024x100xf32>
      %sub3A_61 = arith.constant 1.000000e+00 : f32
      %sub3A_62 = arith.subf %sub3A_61, %exp23A : f32
      %mul3A_63 = vector.broadcast %sub3A_62 : f32 to vector<1024x100xf32>
      %mul3A_64 = arith.mulf %get3A_57, %mul3A_63 : vector<1024x100xf32>
      %sub3A_65 = arith.constant 1.000000e+00 : f32
      %sub3A_66 = vector.broadcast %sub3A_65 : f32 to vector<1024x100xf32>
      %sub3A_67 = arith.subf %sub3A_66, %mul3A_64 : vector<1024x100xf32>
      %le3A_68 = vector.broadcast %select_n3A_50 : f32 to vector<1024x100xf32>
      %le3A_69 = arith.cmpf ole, %sub3A_67, %le3A_68 : vector<1024x100xf32>
      %jit3A_70 = arith.constant 1.000000e+00 : f32
      %jit3A_71 = arith.constant 0.000000e+00 : f32
      %broadcast_in_dim3A_72 = vector.broadcast %jit3A_70 : f32 to vector<1024x100xf32>
      %broadcast_in_dim3A_73 = vector.broadcast %jit3A_71 : f32 to vector<1024x100xf32>
      %select_n3A_74 = arith.select %le3A_69, %broadcast_in_dim3A_72, %broadcast_in_dim3A_73 : vector<1024x100xi1>, vector<1024x100xf32>
      %mul3A_75 = arith.mulf %select_n3A_74, %get3A_60 : vector<1024x100xf32>
      %reduce_sum3A_76 = arith.constant dense<0.000000e+00> : vector<1024xf32>
      %reduce_sum3A_77 = vector.multi_reduction <add>, %mul3A_75, %reduce_sum3A_76 [1] : vector<1024x100xf32> to vector<1024xf32>
      %broadcast_in_dim3A_78 = vector.shape_cast %reduce_sum3A_77 : vector<1024xf32> to vector<1024x1xf32>
      %ge3A_79 = arith.constant 1.000000e+00 : f32
      %ge3A_80 = vector.broadcast %ge3A_79 : f32 to vector<1024x1xf32>
      %ge3A_81 = arith.cmpf oge, %broadcast_in_dim3A_78, %ge3A_80 : vector<1024x1xf32>
      %broadcast_in_dim3A_82 = vector.shape_cast %ge3A_81 : vector<1024x1xi1> to vector<1024x1xi1>
      %broadcast_in_dim3A_83 = vector.broadcast %broadcast_in_dim3A_82 : vector<1024x1xi1> to vector<1024x100xi1>
      %select_n3A_84 = arith.select %broadcast_in_dim3A_83, %mul3A_75, %get3A_60 : vector<1024x100xi1>, vector<1024x100xf32>
      %mul3A_85 = arith.mulf %get3A_57, %select_n3A_84 : vector<1024x100xf32>
      %reduce_max3A_86 = arith.constant dense<0xFF800000> : vector<1024xf32>
      %reduce_max3A_87 = vector.multi_reduction <maximumf>, %mul3A_85, %reduce_max3A_86 [1] : vector<1024x100xf32> to vector<1024xf32>
      %broadcast_in_dim3A_88 = vector.shape_cast %reduce_max3A_87 : vector<1024xf32> to vector<1024x1xf32>
      %iota3A_89 = tpu.iota {dimensions = array<i32: 1>} : vector<1024x100xi32>
      %eq3A_90 = vector.broadcast %broadcast_in_dim3A_88 : vector<1024x1xf32> to vector<1024x100xf32>
      %eq3A_91 = arith.cmpf oeq, %mul3A_85, %eq3A_90 : vector<1024x100xf32>
      %jit3A_92 = arith.constant 100 : i32
      %broadcast_in_dim3A_93 = vector.broadcast %jit3A_92 : i32 to vector<1024x100xi32>
      %select_n3A_94 = arith.select %eq3A_91, %iota3A_89, %broadcast_in_dim3A_93 : vector<1024x100xi1>, vector<1024x100xi32>
      %reduce_min3A = arith.constant dense<2147483647> : vector<1024xi32>
      %reduce_min3A_95 = vector.multi_reduction <minsi>, %select_n3A_94, %reduce_min3A [1] : vector<1024x100xi32> to vector<1024xi32>
      %broadcast_in_dim3A_96 = vector.shape_cast %reduce_min3A_95 : vector<1024xi32> to vector<1024x1xi32>
      %convert_element_type3A_97 = arith.sitofp %broadcast_in_dim3A_96 : vector<1024x1xi32> to vector<1024x1xf32>
      %swap3A = arith.constant 0 : index
      %swap3A_98 = arith.constant 0 : index
      %swap3A_99 = vector.load %arg17[%swap3A, %swap3A_98] : memref<1024x1xf32, #tpu.memory_space<vmem>>, vector<1024x1xf32>
      tpu.vector_store %arg17[%swap3A, %swap3A_98], %convert_element_type3A_97 {strides = array<i32>} : memref<1024x1xf32, #tpu.memory_space<vmem>>, vector<1024x1xf32>,
    } else {
    }
    return
  }
  func.func @transform_0(%arg0: i32) -> i32 {
    %c0_i32 = arith.constant 0 : i32
    %c0_i32_0 = arith.constant 0 : i32
    return %c0_i32 : i32
  }
  func.func @transform_1(%arg0: i32) -> i32 {
    %c0_i32 = arith.constant 0 : i32
    %c0_i32_0 = arith.constant 0 : i32
    return %c0_i32 : i32
  }
  func.func @transform_2(%arg0: i32) -> (i32, i32) {
    %min3A = arith.constant 3 : i32
    %min3A_0 = arith.minsi %arg0, %min3A : i32
    %c0_i32 = arith.constant 0 : i32
    %c0_i32_1 = arith.constant 0 : i32
    return %min3A_0, %c0_i32 : i32, i32
  }
  func.func @transform_3(%arg0: i32) -> (i32, i32) {
    %min3A = arith.constant 3 : i32
    %min3A_0 = arith.minsi %arg0, %min3A : i32
    %c0_i32 = arith.constant 0 : i32
    %c0_i32_1 = arith.constant 0 : i32
    return %min3A_0, %c0_i32 : i32, i32
  }
  func.func @transform_4(%arg0: i32) -> (i32, i32) {
    %c0_i32 = arith.constant 0 : i32
    %c0_i32_0 = arith.constant 0 : i32
    %c0_i32_1 = arith.constant 0 : i32
    return %c0_i32, %c0_i32_0 : i32, i32
  }
  func.func @transform_5(%arg0: i32) -> (i32, i32) {
    %c0_i32 = arith.constant 0 : i32
    %c0_i32_0 = arith.constant 0 : i32
    %c0_i32_1 = arith.constant 0 : i32
    return %c0_i32, %c0_i32_0 : i32, i32
  }
  func.func @transform_6(%arg0: i32) -> (i32, i32) {
    %c0_i32 = arith.constant 0 : i32
    %c0_i32_0 = arith.constant 0 : i32
    %c0_i32_1 = arith.constant 0 : i32
    return %c0_i32, %c0_i32_0 : i32, i32
  }
  func.func @transform_7(%arg0: i32) -> i32 {
    %c0_i32 = arith.constant 0 : i32
    %c0_i32_0 = arith.constant 0 : i32
    return %c0_i32 : i32
  }
  func.func @transform_8(%arg0: i32) -> (i32, i32) {
    %c0_i32 = arith.constant 0 : i32
    %c0_i32_0 = arith.constant 0 : i32
    %c0_i32_1 = arith.constant 0 : i32
    return %c0_i32, %c0_i32_0 : i32, i32
  }
  func.func @transform_9(%arg0: i32) -> i32 {
    %c0_i32 = arith.constant 0 : i32
    %c0_i32_0 = arith.constant 0 : i32
    return %c0_i32 : i32
  }
  func.func @transform_10(%arg0: i32) -> (i32, i32) {
    %c0_i32 = arith.constant 0 : i32
    %c0_i32_0 = arith.constant 0 : i32
    %c0_i32_1 = arith.constant 0 : i32
    return %c0_i32, %c0_i32_0 : i32, i32
  }
  func.func @transform_11(%arg0: i32) -> i32 {
    %c0_i32 = arith.constant 0 : i32
    %c0_i32_0 = arith.constant 0 : i32
    return %c0_i32 : i32
  }
  func.func @transform_12(%arg0: i32) -> (i32, i32) {
    %c0_i32 = arith.constant 0 : i32
    %c0_i32_0 = arith.constant 0 : i32
    %c0_i32_1 = arith.constant 0 : i32
    return %c0_i32, %c0_i32_0 : i32, i32
  }
  func.func @transform_13(%arg0: i32) -> (i32, i32) {
    %min3A = arith.constant 3 : i32
    %min3A_0 = arith.minsi %arg0, %min3A : i32
    %c0_i32 = arith.constant 0 : i32
    %c0_i32_1 = arith.constant 0 : i32
    return %min3A_0, %c0_i32 : i32, i32
  }
  func.func @transform_14(%arg0: i32) -> (i32, i32) {
    %min3A = arith.constant 3 : i32
    %min3A_0 = arith.minsi %arg0, %min3A : i32
    %c0_i32 = arith.constant 0 : i32
    %c0_i32_1 = arith.constant 0 : i32
    return %min3A_0, %c0_i32 : i32, i32
  }
  func.func @transform_15(%arg0: i32) -> (i32, i32) {
    %min3A = arith.constant 3 : i32
    %min3A_0 = arith.minsi %arg0, %min3A : i32
    %c0_i32 = arith.constant 0 : i32
    %c0_i32_1 = arith.constant 0 : i32
    return %min3A_0, %c0_i32 : i32, i32
  }
  func.func @transform_16(%arg0: i32) -> (i32, i32) {
    %c0_i32 = arith.constant 0 : i32
    %c0_i32_0 = arith.constant 0 : i32
    %c0_i32_1 = arith.constant 0 : i32
    return %c0_i32, %c0_i32_0 : i32, i32
  }
  func.func @transform_17(%arg0: i32) -> (i32, i32) {
    %min3A = arith.constant 3 : i32
    %min3A_0 = arith.minsi %arg0, %min3A : i32
    %c0_i32 = arith.constant 0 : i32
    %c0_i32_1 = arith.constant 0 : i32
    return %min3A_0, %c0_i32 : i32, i32
  }
}

</mosaic_0001>

<sc_bundles>
// kernel: _run.5.cloned.1.call-start
scs
__scs_entry_jumppad:
0x0: {  	(pc) =	sbr.rel $0x88, $3  }
0x1: {  	(tag) =	ssettag $0x0;
	lr =	simm.s32 $0x1  }
0x2: {  	[smem:$0x3F93] =	sst lr;
	_ =	strace $0xD0000000  }
0x3: {  	_ = 	snop  }
0x4: {  	_ = 	snop  }
0x5: {  	_ = 	snop  }
0x6: {  	_ = 	snop  }
0x7: {  	_ = 	snop  }
__scs_overlays_trampoline_lowered:
0x8: {  	[smem:$0x3FA2] =	sst s0  }
0x9: {  	[smem:$0x3FA3] =	sst s1  }
0xa: {  	[smem:$0x3FA4] =	sst s2  }
0xb: {  	[smem:$0x3FA5] =	sst s3  }
0xc: {  	[smem:$0x3FA6] =	sst s4  }
0xd: {  	[smem:$0x3FA7] =	sst s5  }
0xe: {  	[smem:$0x3FA8] =	sst s6  }
0xf: {  	[smem:$0x3FA9] =	sst s7  }
0x10: {  	[smem:$0x3FAA] =	sst s8  }
0x11: {  	[smem:$0x3FAB] =	sst s9;
	s0 =	simm.s32 @!p0 $0x0  }
0x12: {  	s1 =	sld [smem:$0x3F91];
	s0 =	simm.s32 @p0 $0x1  }
0x13: {  	[smem:$0x3FAC] =	sst s0;
	s0 =	simm.s32 @!p1 $0x0  }
0x14: {  	s2 =	sld [smem:$0x3F90];
	s0 =	simm.s32 @p1 $0x1  }
0x15: {  	[smem:$0x3FAD] =	sst s0;
	s0 =	simm.s32 @!p2 $0x0  }
0x16: {  	s3 =	sld [smem:$0x3FDB];
	s0 =	simm.s32 @p2 $0x1  }
0x17: {  	s4 =	simm.s32 $0x1BF5;
	[smem:$0x3FAF] =	sst s0  }
0x18: {  	s0 =	sld [smem:$0x3F92];
	_ =	swait.ge [sflag:s4], $0x0  }
0x19: {  	s7 =	sld [smem:$0x3F93]  }
0x1a: {  	s8 =	sadd.s32 $0xFFFFE003, lr  }
0x1b: {  	s9 =	sadd.s32 $0xFFFFFEF7, lr;
	s5 =	simm.s32 $0xFFFFFFFF;
	p2 =	slt.u32 s8, $0xFFFFF086  }
0x1c: {  	p1 =	slt.u32 s9, $0xF7A;
	s5 =	simm.s32 @!p2 $0x0  }
0x1d: {  	s5 =	simm.s32 @p1 $0x1;
	p0 =	seq.s32 s7, s2  }
0x1e: {  	s7 =	smul.u32 @!p0 $0xF7A, s2;
	p2 =	seq.s32 @!p0 s5, $0x0  }
0x1f: {  	s9 =	smul.u32 $0xF7A, s1;
	s8 =	simm.s32 @!p0 $0x1BF5;
	p2 =	por !p2, p0  }
0x20: {  	[sflag:s8] =	ssyncset.s32 @!p0 $0xFFFFF086;
	s6 =	sadd.s32 @!p0 s3, s7;
	s7 =	simm.s32 @!p0 $0x108  }
0x21: {  	s3 =	sadd.s32 s3, s9;
	s6 =	sadd.s32 @!p0 $0x88, s6;
	s7 =	simm.s32 @p2 $0x1082  }
0x22: {  	[simem:s7], [sflag:s8] =	dma.local @!p0 [hbm:s6], $0xF7A  }
0x23: {  	s9 =	sor.u32 $0xD0000000, s2;
	s6 =	simm.s32 $0x108;
	_ =	swait.ge @!p0 [sflag:s8], $0x0  }
0x24: {  	s3 =	sadd.s32 $0x88, s3;
	s6 =	simm.s32 @!p1 $0x1082;
	[sflag:s4] =	ssyncset.s32 $0xFFFFF086  }
0x25: {  	[simem:s6], [sflag:s4] =	dma.local [hbm:s3], $0xF7A  }
0x26: {  	[smem:$0x3F93] =	sst s1;
	(tag) =	ssettag s2;
	_ =	strace s9  }
0x27: {  	s1 =	sld [smem:$0x3FA3]  }
0x28: {  	s2 =	sld [smem:$0x3FA4]  }
0x29: {  	s4 =	sld [smem:$0x3FA6]  }
0x2a: {  	p0 =	seq.s32 s5, $0x0;
	s5 =	sld [smem:$0x3FA7]  }
0x2b: {  	s6 =	sld [smem:$0x3FA8]  }
0x2c: {  	s7 =	sld [smem:$0x3FA9]  }
0x2d: {  	s3 =	simm.s32 $0x108;
	s8 =	sld [smem:$0x3FAA]  }
0x2e: {  	s3 =	simm.s32 @!p0 $0x1082;
	s9 =	sld [smem:$0x3FAB]  }
0x2f: {  	lr =	sadd.s32 s0, s3;
	s0 =	sld [smem:$0x3FA2]  }
0x30: {  	s3 =	sld [smem:$0x3FA5]  }
0x31: {  	[smem:$0x3FAE] =	sst s10  }
0x32: {  	s10 =	sld [smem:$0x3FAC];
	_ =	sdelay $0x3  }
0x33: {  	p0 =	seq.s32 s10, $0x1;
	s10 =	sld [smem:$0x3FAE];
	_ =	sdelay $0x3  }
0x34: {  	[smem:$0x3FAE] =	sst s10  }
0x35: {  	s10 =	sld [smem:$0x3FAD];
	_ =	sdelay $0x3  }
0x36: {  	p1 =	seq.s32 s10, $0x1;
	s10 =	sld [smem:$0x3FAE];
	_ =	sdelay $0x3  }
0x37: {  	[smem:$0x3FAE] =	sst s10  }
0x38: {  	s10 =	sld [smem:$0x3FAF]  }
0x39: {  	_ = 	snop;
	(pc) =	sbr.ind lr, $3  }
0x3a: {  	_ = 	snop  }
0x3b: {  	_ = 	snop  }
0x3c: {  	p2 =	seq.s32 s10, $0x1;
	s10 =	sld [smem:$0x3FAE]  }
0x3d: {  	_ =	shalt  }
0x3e: {  	_ =	shalt  }
0x3f: {  	_ =	shalt  }
0x40: {  	_ =	shalt  }
0x41: {  	_ =	shalt  }
0x42: {  	_ =	shalt  }
0x43: {  	_ =	shalt  }
0x44: {  	_ =	shalt  }
0x45: {  	_ =	shalt  }
0x46: {  	_ =	shalt  }
0x47: {  	_ =	shalt  }
0x48: {  	_ =	shalt  }
0x49: {  	_ =	shalt  }
0x4a: {  	_ =	shalt  }
0x4b: {  	_ =	shalt  }
0x4c: {  	_ =	shalt  }
0x4d: {  	_ =	shalt  }
0x4e: {  	_ =	shalt  }
0x4f: {  	_ =	shalt  }
0x50: {  	_ =	shalt  }
0x51: {  	_ =	shalt  }
0x52: {  	_ =	shalt  }
0x53: {  	_ =	shalt  }
0x54: {  	_ =	shalt  }
0x55: {  	_ =	shalt  }
0x56: {  	_ =	shalt  }
0x57: {  	_ =	shalt  }
0x58: {  	_ =	shalt  }
0x59: {  	_ =	shalt  }
0x5a: {  	_ =	shalt  }
0x5b: {  	_ =	shalt  }
0x5c: {  	_ =	shalt  }
0x5d: {  	_ =	shalt  }
0x5e: {  	_ =	shalt  }
0x5f: {  	_ =	shalt  }
0x60: {  	_ =	shalt  }
0x61: {  	_ =	shalt  }
0x62: {  	_ =	shalt  }
0x63: {  	_ =	shalt  }
0x64: {  	_ =	shalt  }
0x65: {  	_ =	shalt  }
0x66: {  	_ =	shalt  }
0x67: {  	_ =	shalt  }
0x68: {  	_ =	shalt  }
0x69: {  	_ =	shalt  }
0x6a: {  	_ =	shalt  }
0x6b: {  	_ =	shalt  }
0x6c: {  	_ =	shalt  }
0x6d: {  	_ =	shalt  }
0x6e: {  	_ =	shalt  }
0x6f: {  	_ =	shalt  }
0x70: {  	_ =	shalt  }
0x71: {  	_ =	shalt  }
0x72: {  	_ =	shalt  }
0x73: {  	_ =	shalt  }
0x74: {  	_ =	shalt  }
0x75: {  	_ =	shalt  }
0x76: {  	_ =	shalt  }
0x77: {  	_ =	shalt  }
0x78: {  	_ =	shalt  }
0x79: {  	_ =	shalt  }
0x7a: {  	_ =	shalt  }
0x7b: {  	_ =	shalt  }
0x7c: {  	_ =	shalt  }
0x7d: {  	_ =	shalt  }
0x7e: {  	_ =	shalt  }
0x7f: {  	_ =	shalt  }
0x80: {  	_ =	shalt  }
0x81: {  	_ =	shalt  }
0x82: {  	_ =	shalt  }
0x83: {  	_ =	shalt  }
0x84: {  	_ =	shalt  }
0x85: {  	_ =	shalt  }
0x86: {  	_ =	shalt  }
0x87: {  	_ =	shalt  }
.Lfunc_end0:
.L_simem_size_0:
called_computation_lowered:
.L_overlay_start_0:
0x88: {  	s2 =	sld [smem:$0x3FD9]  }
0x89: {  	s3 =	sld [smem:$0x3FFE];
	_ =	sdelay $0x1  }
0x8a: {  	s1 =	srdreg.scid  }
0x8b: {  	s0 =	sand.u32 $0x1, s1  }
0x8c: {  	s15 =	sshll.u32 s0, $0xA;
	s2 =	sadd.s32 s3, s2  }
0x8d: {  	s2 =	sadd.s32 s2, s15  }
0x8e: {  	[smem:$0x3FBA] =	sst s2  }
0x8f: {  	_ = 	snop  }
0x90: {  	s2 =	sld [smem:$0x3FD0];
	_ =	sdelay $0x2  }
0x91: {  	s4 =	simm.s32 $0xA;
	s5 =	simm.s32 $0x10;
	s16 =	sld [smem:$0x3FBD]  }
0x92: {  	[smem:s5], [sflag:s4] =	dma.local [hbm:s2], $0x1  }
0x93: {  	_ =	swait.eq [sflag:s4], $0x1  }
0x94: {  	[sflag:s4] =	ssyncset.done $0x0  }
0x95: {  	[sflag:s4] =	ssyncadd.s32 $0xFFFFFFFF  }
0x96: {  	s17 =	sld [smem:$0x11];
	(tm) =	ssettm $0x1  }
0x97: {  	s18 =	sld [smem:$0x3FFB];
	_ =	sdelay $0x3  }
0x98: {  	_ =	strace s18  }
0x99: {  	s4 =	sld [smem:$0x3FFC];
	_ =	sdelay $0x3  }
0x9a: {  	_ =	strace s4  }
0x9b: {  	s4 =	sld [smem:$0x3FFD];
	_ =	sdelay $0x3  }
0x9c: {  	_ =	strace s4  }
0x9d: {  	_ =	strace $0x8FFFFFFF  }
0x9e: {  	s19 =	sld [smem:$0x3FDB];
	_ =	sdelay $0x1  }
0x9f: {  	s20 =	simm.s32 $_scs_section_size  }
0xa0: {  	s6 =	simm.s32 $_size__tile_overlayer_lowered;
	s7 =	simm.s32 $_tile_overlayer_lowered  }
0xa1: {  	s23 =	simm.s32 $0x1BFF;
	s22 =	sshll.u32 s7, $0x1;
	s4 =	sadd.s32 s20, s19  }
0xa2: {  	s8 =	simm.s32 $0x0;
	s21 =	sshll.u32 s6, $0x1;
	s6 =	sadd.s32 s22, s4  }
0xa3: {  	[timem:s8], [sflag:s23] =	dma.local [hbm:s6], s21  }
0xa4: {  	_ =	swait.ge [sflag:s23], s21  }
0xa5: {  	s5 =	ssub.s32 $0x0, s21;
	[sflag:s23] =	ssyncset.done $0x0  }
0xa6: {  	[sflag:s23] =	ssyncadd.s32 s5;
	_ =	sdelay $0x1  }
0xa7: {  	s24 =	simm.s32 $0x1B8B  }
0xa8: {  	_ =	swait.ge [sflag:s24], $0x1  }
0xa9: {  	[sflag:s24] =	ssyncset.done $0x0  }
0xaa: {  	s25 =	simm.s32 $0x1B8E;
	[sflag:s24] =	ssyncadd.s32 $0xFFFFFFFF  }
0xab: {  	s26 =	simm.s32 $execute0_lowered;
	[smem:$0x3FD2] =	sst s25  }
0xac: {  	s5 =	sshll.u32 s26, $0x1;
	_ =	strace $0x80000046;
	[dreg:$0x1] =	wrdreg $0xFFFFFFFF  }
0xad: {  	s28 =	simm.s32 $_size_execute0_lowered;
	s4 =	sadd.s32 s4, s5;
	[dreg:$0x0] =	wrdreg $0x0  }
0xae: {  	s5 =	sshll.u32 s28, $0x1;
	[dreg:$0x2] =	wrdreg s4  }
0xaf: {  	[dreg:$0x3] =	wrdreg s5  }
0xb0: {  	[dreg:$0x4] =	wrdreg $0xC0  }
0xb1: {  	_ =	task [dreg:s8], $0x5FFFF  }
0xb2: {  	[dreg:$0x1] =	wrdreg $0xFFFFFFFF  }
0xb3: {  	[dreg:$0x0] =	wrdreg $0x60  }
0xb4: {  	[dreg:$0x2] =	wrdreg s16  }
0xb5: {  	[dreg:$0x3] =	wrdreg s17  }
0xb6: {  	[dreg:$0x4] =	wrdreg $0x9  }
0xb7: {  	_ =	task.clear_ibuf [dreg:s8], $0x5FFFF;
	_ =	strace $0x90000046  }
0xb8: {  	s29 =	simm.s32 $0x9;
	_ =	strace $0x80000048  }
0xb9: {  	_ =	swait.ge [sflag:s29], $0x1  }
0xba: {  	[sflag:s29] =	ssyncadd.s32 $0xFFFFFFFF  }
0xbb: {  	_ =	strace $0x90000048  }
0xbc: {  	_ =	sfence  }
0xbd: {  	s30 =	sld [smem:$0x0];
	_ =	sdelay $0x2  }
0xbe: {  	s31 =	sshll.u32 s1, $0xD;
	s1 =	sshrl.u32 s1, $0x2  }
0xbf: {  	s3 =	sand.u32 $0x4000, s31;
	s1 =	sadd.s32 s1, s30  }
0xc0: {  	s0 =	sor.u32 s3, s0;
	s1 =	sshll.u32 s1, $0x11  }
0xc1: {  	s0 =	sor.u32 s1, s0  }
0xc2: {  	s0 =	sadd.s32 $0x8F2B, s0  }
0xc3: {  	[sflag:s0] =	ssyncadd.remote.s32 $0x1  }
0xc4: {  	_ =	sfence.sel $0xFFFF  }
0xc5: {  	[dreg:$0x0] =	wrdreg $0xFFFFFFFF;
	(pc) =	sbr.abs _section_cstart, $3  }
0xc6: {  	[dreg:$0x1] =	wrdreg $0xFFFFFFFF  }
0xc7: {  	_ =	task.clear_ibuf [dreg:s8], $0x2FFFF;
	_ =	strace $0x9FFFFFFF  }
0xc8: {  	(tm) =	ssettm $0x7FFFFFFF  }
0xc9: {  	_ =	shalt  }
tec
execute0_lowered:
.L_overlay_start_1:
0x0: {  	(tag) =	ssettag $0x1  }
0x1: {  	s3 =	rddreg [dreg:$0x0]  }
0x2: {  	s5 =	rddreg [dreg:$0x1]  }
0x3: {  	s0 =	rddreg [dreg:$0x2];
	s4 =	srdreg.scid  }
0x4: {  	s2 =	simm.s32 $0x0;
	s1 =	stileid.u32;
	s4 =	sand.u32 $0x1, s4  }
0x5: {  	s6 =	sshll.u32 s1, $0xD;
	s7 =	sshll.u32 s4, $0xC;
	s30 =	ssub.s32 $0x2, s4  }
0x6: {  	[smem:$0x7FF] =	sst s2;
	s6 =	sor.u32 s7, s6;
	s8 =	sshrl.u32 s30, $0x1  }
0x7: {  	_ =	strace $0x80000047;
	s4 =	sadd.s32 s3, s6;
	s7 =	ssub.s32 s30, s8  }
0x8: {  	[tilespmem:s2], [sflag:$0x1] =	stream.linear.gather [hbm4b:s4+s2], $0x8000, $0x38;
	[tilespmem:$0x8000] =	vst v63  }
0x9: {  	s3 =	simm.s32 $0x1;
	s31 =	smax.u32 s7, $0x1  }
0xa: {  	_ =	swait.ge [sflag:s3], $0x8000;
	p0 =	sne.s32 s31, $0x1  }
.Ltmp0:
0xb: {  	s5 =	sadd.s32 s6, s5;
	[sflag:s3] =	ssyncset.done $0x0;
	(pc) =	sbr.rel @!p0 .LBB2_2-.Ltmp0, $4  }
0xc: {  	s5 =	sadd.s32 $0x8000, s5;
	[sflag:s3] =	ssyncadd.s32 $0xFFFF8000  }
0xd: {  	[hbm4b:s5+s2] =	stream.linear.scatter [tilespmem:s2], [sflag:$0x1], $0x8000, $0x38;
	[tilespmem:$0x8000] =	vst v63  }
0xe: {  	_ =	swait.ge [sflag:s3], $0x8000  }
0xf: {  	s6 =	sadd.s32 $0xFFFFFFFF, s31;
	[sflag:s3] =	ssyncset.done $0x0  }
.LBB2_1:
0x10: {  	p0 =	sne.s32 s6, $0x1;
	s6 =	sadd.s32 $0xFFFFFFFF, s6;
	[sflag:s3] =	ssyncadd.s32 $0xFFFF8000  }
0x11: {  	[tilespmem:s2], [sflag:$0x1] =	stream.linear.gather [hbm4b:s4+s2], $0x8000, $0x38;
	[tilespmem:$0x8000] =	vst v63  }
0x12: {  	_ =	swait.ge [sflag:s3], $0x8000  }
.Ltmp1:
0x13: {  	[sflag:s3] =	ssyncset.done $0x0;
	(pc) =	sbr.rel @p0 .LBB2_1-.Ltmp1, $4  }
0x14: {  	[sflag:s3] =	ssyncadd.s32 $0xFFFF8000  }
0x15: {  	[hbm4b:s5+s2] =	stream.linear.scatter [tilespmem:s2], [sflag:$0x1], $0x8000, $0x38;
	[tilespmem:$0x8000] =	vst v63  }
0x16: {  	_ =	swait.ge [sflag:s3], $0x8000  }
0x17: {  	[sflag:s3] =	ssyncset.done $0x0  }
.LBB2_2:
0x18: {  	[sflag:s3] =	ssyncadd.s32 $0xFFFF8000  }
0x19: {  	_ =	sfence.sel $0x180000  }
0x1a: {  	[bflag:$0x0] =	sbarrier.arrive $0xFFFF  }
0x1b: {  	p0 =	sne.s32 s1, $0x0;
	_ =	strace $0x90000047  }
0x1c: {  	s0 =	sadd.s32 @!p0 $0x100000, s0;
	[bflag:$0x2] =	sbarrier.arrive $0xFFFF  }
0x1d: {  	[sflag:s0] =	ssyncadd.tile.s32 @!p0 $0x1;
	_ =	shalt  }
.Lfunc_end2:
_tile_overlayer_lowered:
.L_overlay_start_2:
0x1e: {  	(tag) =	ssettag $0x2  }
0x1f: {  	s0 =	rddreg [dreg:$0x0];
	s2 =	stileid.u32  }
0x20: {  	s1 =	rddreg [dreg:$0x1];
	p0 =	sne.s32 s2, $0x0  }
0x21: {  	s3 =	rddreg [dreg:$0x2];
	[bflag:$0x3] =	sbarrier.arrive $0xFFFF;
	s2 =	simm.s32 @!p0 $0x1C01  }
0x22: {  	[timem:s3], [sflag:s2] =	dma.local @!p0 [hbm:s0], s1  }
0x23: {  	s0 =	simm.s32 @!p0 $0x1  }
0x24: {  	_ =	swait.ge @!p0 [sflag:s0], s1  }
0x25: {  	s1 =	ssub.s32 @!p0 $0x0, s1;
	[sflag:s0] =	ssyncset.done @!p0 $0x0  }
0x26: {  	[sflag:s0] =	ssyncadd.s32 @!p0 s1  }
0x27: {  	[bflag:$0x3] =	sbarrier.arrive $0xFFFF  }
0x28: {  	_ =	shalt  }

</sc_bundles>
